<compile_context>
chip_gen: v7x
topology: tpu7x:2x2x1
jax: 0.10.2.dev20260603
libtpu: 0.0.44.dev20260713+nightly
codegen_flags: <defaults>
</compile_context>

<pallas_src>
import dataclasses

import jax
import jax.numpy as jnp
from jax import lax
from jax.experimental import pallas as pl
from jax.experimental.pallas import tpu as pltpu
from jax.experimental.pallas import tpu_sc as plsc

_cparams = pltpu.CompilerParams()
if "needs_layout_passes" in pltpu.CompilerParams.__dataclass_fields__:
    _cparams = dataclasses.replace(_cparams, needs_layout_passes=False)
if "use_tc_tiling_on_sc" in pltpu.CompilerParams.__dataclass_fields__:
    _cparams = dataclasses.replace(_cparams, use_tc_tiling_on_sc=False)

N_ATOMS = 1000000
N_TYPES = 11

NC = 2
NS = 16
W = NC * NS
L = 16

C = 31360
HALVES = 2
CH = C // HALVES
HL = CH // L
NP = W * C
PAD = NP - N_ATOMS

HISTW = HALVES * L * N_TYPES
HISTSZ = W * HISTW
NSLOT = W * HALVES * L

BUCKET = CH * 3 + 8 * N_TYPES + 32
SB = 2240
NSB = CH // SB
BFULL = 8192
LADDER = [4096, 2048, 1024, 512, 256, 128, 64, 32, 16, 8]
TIERS = [64, 128, 256, 512]
OUTW = 3 * NP + W * 512

_mesh = plsc.VectorSubcoreMesh(core_axis_name="c", subcore_axis_name="s")
_i32 = jnp.int32


def _wid():
    return lax.axis_index("s") * NC + lax.axis_index("c")


@jax.jit
def _hist_call(res, atm):
    @pl.kernel(
        out_type=(
            jax.ShapeDtypeStruct((NP,), _i32),
            jax.ShapeDtypeStruct((HISTSZ,), _i32),
        ),
        mesh=_mesh,
        compiler_params=_cparams,
        scratch_types=[
            pltpu.VMEM((C,), _i32),
            pltpu.VMEM((C,), _i32),
            pltpu.VMEM((C,), _i32),
            pltpu.VMEM((HISTW,), _i32),
        ],
    )
    def k(res_hbm, atm_hbm, types_hbm, hist_hbm, res_v, atm_v, types_v, cnt_v):
        w = _wid()
        base = w * C
        pltpu.sync_copy(res_hbm.at[pl.ds(base, C)], res_v)
        pltpu.sync_copy(atm_hbm.at[pl.ds(base, C)], atm_v)

        zeros = jnp.zeros((L,), _i32)
        for kk in range(HISTW // L):
            cnt_v[pl.ds(kk * L, L)] = zeros

        lane = lax.iota(_i32, L)
        ones = jnp.ones((L,), _i32)

        @pl.loop(0, HL)
        def _(i):
            for h in range(HALVES):
                f = h * CH + lane * HL + i
                r = plsc.load_gather(res_v, [f])
                a = plsc.load_gather(atm_v, [f])
                t = (r * 7 + a) % N_TYPES
                plsc.store_scatter(types_v, [f], t)
                plsc.addupdate_scatter(
                    cnt_v, [(h * L + lane) * N_TYPES + t], ones)

        pltpu.sync_copy(types_v, types_hbm.at[pl.ds(base, C)])
        pltpu.sync_copy(cnt_v, hist_hbm.at[pl.ds(w * HISTW, HISTW)])

    return k(res, atm)


@jax.jit
def _scatter_call(coords, types, hist):
    @pl.kernel(
        out_type=(
            jax.ShapeDtypeStruct((OUTW,), jnp.float32),
            jax.ShapeDtypeStruct((L,), _i32),
            jax.ShapeDtypeStruct((L,), _i32),
        ),
        mesh=_mesh,
        compiler_params=_cparams,
        scratch_types=[
            pltpu.VMEM((C,), _i32),
            pltpu.VMEM((BUCKET,), jnp.float32),
            pltpu.VMEM((HISTSZ,), _i32),
            pltpu.VMEM((N_TYPES * NSLOT,), _i32),
            pltpu.VMEM((HALVES * L * N_TYPES,), _i32),
            pltpu.VMEM((L,), _i32),
            pltpu.VMEM((L,), _i32),
            pltpu.VMEM((512,), jnp.float32),
            pltpu.VMEM((64,), _i32),
            pltpu.VMEM((128,), _i32),
            pltpu.VMEM((256,), _i32),
            pltpu.VMEM((512,), _i32),
            pltpu.VMEM((SB * 3,), jnp.float32),
            pltpu.VMEM((SB * 3,), jnp.float32),
            pltpu.SemaphoreType.DMA,
            pltpu.SemaphoreType.DMA,
            pltpu.SemaphoreType.DMA,
        ],
    )
    def k(coords_hbm, types_hbm, hist_hbm, out_hbm, cnt_hbm, off_hbm,
          types_h, bucket_v, hist_v, basecol_v, state_v, co_v, of_v,
          st_v, wi64_v, wi128_v, wi256_v, wi512_v, crd0_v, crd1_v,
          semA, semB, semW):
        w = _wid()
        lane = lax.iota(_i32, L)
        wi_tiers = list(zip(TIERS, [wi64_v, wi128_v, wi256_v, wi512_v]))

        pltpu.sync_copy(hist_hbm, hist_v)

        for tsz, tref in wi_tiers:
            for b in range(tsz // L):
                tref[pl.ds(b * L, L)] = 3 * NP + w * 512 + b * L + lane

        G = jnp.int32(0)
        counts_vec = jnp.zeros((L,), _i32)
        offs_vec = jnp.zeros((L,), _i32)
        for t in range(N_TYPES):
            offs_vec = offs_vec + jnp.where(lane == t, G, 0)

            def g_body(g, run, t=t):
                v = plsc.load_gather(hist_v, [(g * L + lane) * N_TYPES + t])
                c = jnp.cumsum(v)
                plsc.store_scatter(
                    basecol_v, [t * NSLOT + g * L + lane], run + c - v)
                return run + jnp.sum(v)

            tot = lax.fori_loop(0, NSLOT // L, g_body, G)
            counts_vec = counts_vec + jnp.where(lane == t, tot - G, 0)
            G = tot

        @pl.when(w == 0)
        def _():
            co_v[...] = counts_vec - jnp.where(lane == (N_TYPES - 1), PAD, 0)
            of_v[...] = offs_vec
            pltpu.sync_copy(co_v, cnt_hbm)
            pltpu.sync_copy(of_v, off_hbm)

        htc = jnp.int32(0)

        pltpu.sync_copy(types_hbm.at[pl.ds(w * C, C)], types_h)

        run_infos = []
        for h in range(HALVES):
            slot0 = (w * HALVES + h) * L
            pe = jnp.int32(0)
            run_info = []
            for t in range(N_TYPES):
                v = plsc.load_gather(hist_v, [(slot0 + lane) * N_TYPES + t])
                c = jnp.cumsum(v)
                cnt = jnp.sum(v)
                gb = plsc.load_gather(
                    basecol_v,
                    [jnp.full((L,), t * NSLOT, _i32) + slot0 + lane * 0])
                gbase = jnp.max(gb)
                ws = gbase * 3
                we = ws + cnt * 3
                lw = pe + lax.bitwise_and(ws - pe, 7)
                pe = lw + cnt * 3
                seeds = lw + 3 * (c - v)
                plsc.store_scatter(
                    state_v, [(h * L + lane) * N_TYPES + t], seeds)
                run_info.append((ws, we, lw))
            run_infos.append(run_info)

        threes = jnp.full((L,), 3, _i32)

        @pl.loop(0, HL)
        def _(i):
            for h in range(HALVES):
                f = h * CH + lane * HL + i
                t = plsc.load_gather(types_h, [f])
                sidx = (h * L + lane) * N_TYPES + t
                p = plsc.load_gather(state_v, [sidx])
                plsc.addupdate_scatter(state_v, [sidx], threes)
                plsc.store_scatter(types_h, [f], p)

        for h in range(HALVES):
            hbase = w * C + h * CH
            run_info = run_infos[h]

            def issue(s, buf, sem):
                return pltpu.async_copy(
                    coords_hbm.at[pl.ds((hbase + s * SB) * 3, SB * 3)],
                    buf, sem)

            issue(0, crd0_v, semA)
            for s in range(NSB):
                buf, sem = (crd0_v, semA) if s % 2 == 0 else (crd1_v, semB)
                if s + 1 < NSB:
                    nbuf, nsem = (crd1_v, semB) if s % 2 == 0 else (crd0_v, semA)
                    issue(s + 1, nbuf, nsem)
                pltpu.make_async_copy(
                    coords_hbm.at[pl.ds((hbase + s * SB) * 3, SB * 3)],
                    buf, sem).wait()

                @pl.loop(0, SB // L)
                def _(kk, s=s, buf=buf):
                    q = types_h[pl.ds(h * CH + s * SB + kk * L, L)]
                    for cc in range(3):
                        val = plsc.load_gather(buf, [(kk * L + lane) * 3 + cc])
                        plsc.store_scatter(bucket_v, [q + cc], val)

            mid_total = jnp.int32(0)
            for t in range(N_TYPES):
                ws, we, lw = run_info[t]
                s8 = lax.bitwise_and(ws + 7, -8)
                e8 = lax.bitwise_and(we, -8)
                me = jnp.maximum(e8, s8)
                mlen = me - s8
                b8 = lw + (s8 - ws)
                nb = lax.shift_right_logical(mlen, 13)
                rem = lax.bitwise_and(mlen, BFULL - 1)

                def mid_body(kk, _, b8=b8, s8=s8):
                    pltpu.async_copy(
                        bucket_v.at[pl.ds(
                            pl.multiple_of(b8 + kk * BFULL, 8), BFULL)],
                        out_hbm.at[pl.ds(
                            pl.multiple_of(s8 + kk * BFULL, 8), BFULL)],
                        semW)
                    return 0

                lax.fori_loop(0, nb, mid_body, 0)
                for sz in LADDER:
                    @pl.when(lax.bitwise_and(rem, sz) != 0)
                    def _(sz=sz, rem=rem, nb=nb, b8=b8, s8=s8):
                        off = nb * BFULL + lax.bitwise_and(rem, -(2 * sz))
                        pltpu.async_copy(
                            bucket_v.at[pl.ds(
                                pl.multiple_of(b8 + off, 8), sz)],
                            out_hbm.at[pl.ds(
                                pl.multiple_of(s8 + off, 8), sz)],
                            semW)
                mid_total = mid_total + mlen

                hlen = jnp.minimum(s8, we) - ws
                tstart = jnp.maximum(s8, e8)
                tlen = jnp.maximum(we - tstart, 0)
                for sstart, slen in ((ws, hlen), (tstart, tlen)):
                    boff = lw + (sstart - ws)
                    wordsv = plsc.load_gather(bucket_v, [boff + lane])
                    valid = lane < slen
                    plsc.store_scatter(
                        st_v, [htc + lane], wordsv, mask=valid)
                    idxv = sstart + lane
                    for tsz, tref in wi_tiers:
                        plsc.store_scatter(
                            tref, [htc + lane], idxv,
                            mask=jnp.logical_and(valid, (htc + lane) < tsz))
                    htc = htc + slen

            def drain_body(kk, _):
                pltpu.make_async_copy(
                    bucket_v.at[pl.ds(0, BFULL)],
                    out_hbm.at[pl.ds(0, BFULL)], semW).wait()
                return 0

            lax.fori_loop(
                0, lax.shift_right_logical(mid_total, 13), drain_body, 0)
            for sz in LADDER:
                @pl.when(lax.bitwise_and(mid_total, sz) != 0)
                def _(sz=sz):
                    pltpu.make_async_copy(
                        bucket_v.at[pl.ds(0, sz)],
                        out_hbm.at[pl.ds(0, sz)], semW).wait()

        done = jnp.bool_(False)
        for tsz, tref in wi_tiers:
            fits = jnp.logical_and(htc <= tsz, jnp.logical_not(done))

            @pl.when(fits)
            def _(tsz=tsz, tref=tref):
                pltpu.sync_copy(st_v.at[pl.ds(0, tsz)], out_hbm.at[tref])

            done = jnp.logical_or(done, htc <= tsz)

    return k(coords, types, hist)


def kernel(input_coords_cpu, input_resnames, input_atomnames):
    res = input_resnames.astype(_i32)
    atm = input_atomnames.astype(_i32)
    res_p = jnp.concatenate([res, jnp.zeros((PAD,), _i32)])
    atm_p = jnp.concatenate([atm, jnp.full((PAD,), 10, _i32)])
    coords_p = jnp.concatenate([
        input_coords_cpu.astype(jnp.float32),
        jnp.zeros((3 * PAD,), jnp.float32),
    ])

    types, hist = _hist_call(res_p, atm_p)
    out, counts, offsets = _scatter_call(coords_p, types, hist)
    return (
        out[:3 * N_ATOMS],
        counts[:N_TYPES],
        offsets[:N_TYPES],
    )

# --- scband reference (transcript-rebuilt; emitter-appended) ---
"""Pipeline reference for scband-coords2-typed-coords-77610059038770 (READ-ONLY COPY).

The authoritative reference and input builder live on the scoring server;
editing this copy changes nothing except your own understanding.
"""

import jax, jax.numpy as jnp
import numpy as np

NUM_ATOMS = 1000000
NUM_ATOM_TYPES = 11


def setup_inputs(seed: int = 0) -> dict:
    key = jax.random.key(seed)
    k1, k2, k3 = jax.random.split(key, 3)
    input_coords_cpu = jax.random.normal(k1, (3 * NUM_ATOMS,), dtype=jnp.float32)
    input_resnames = jax.random.randint(k2, (NUM_ATOMS,), 0, 20)
    input_atomnames = jax.random.randint(k3, (NUM_ATOMS,), 0, 40)
    return {
        "input_coords_cpu": input_coords_cpu,
        "input_resnames": input_resnames,
        "input_atomnames": input_atomnames,
    }


def _assign_atom_types(resnames, atomnames):
    # Stand-in for the (resname, atomname) -> atom-type lookup table in the
    # original C++ op: a deterministic hash of the two integer codes into
    # one of NUM_ATOM_TYPES bins.
    return (resnames * 7 + atomnames) % NUM_ATOM_TYPES


def reference(input_coords_cpu, input_resnames, input_atomnames):
    atom_types = _assign_atom_types(input_resnames, input_atomnames)
    # histogram: number of atoms of each type
    num_atoms_of_type = jnp.bincount(atom_types, length=NUM_ATOM_TYPES).astype(jnp.int32)
    # exclusive prefix sum -> offsets of each type block in the output
    offsets = jnp.concatenate([
        jnp.zeros((1,), dtype=jnp.int32),
        jnp.cumsum(num_atoms_of_type)[:-1].astype(jnp.int32),
    ])
    # stable sort by type: atom i goes to position offsets[type[i]] + rank-within-type,
    # which is exactly a stable argsort permutation
    perm = jnp.argsort(atom_types)
    output_coords = input_coords_cpu.reshape(NUM_ATOMS, 3)[perm].reshape(-1)
    return (output_coords, num_atoms_of_type, offsets)

if __name__ == "__main__":
    import jax
    _d = setup_inputs()
    print(jax.jit(kernel)(*tuple(_d.values())))

</pallas_src>

<mosaic_0001>
#map = affine_map<(d0, d1) -> (0)>
module attributes {stable_mosaic.version = 14 : i64} {
  func.func @k(%arg0: i32, %arg1: i32, %arg2: memref<1003520xi32, #tpu.memory_space<hbm>>, %arg3: memref<1003520xi32, #tpu.memory_space<hbm>>, %arg4: memref<1003520xi32, #tpu.memory_space<hbm>>, %arg5: memref<11264xi32, #tpu.memory_space<hbm>>, %arg6: memref<31360xi32, #tpu.memory_space<vmem>>, %arg7: memref<31360xi32, #tpu.memory_space<vmem>>, %arg8: memref<31360xi32, #tpu.memory_space<vmem>>, %arg9: memref<352xi32, #tpu.memory_space<vmem>>) attributes {dimension_semantics = [#tpu.dimension_semantics<core_parallel>, #tpu.dimension_semantics<subcore_parallel>], iteration_bounds = array<i64: 2, 16>, scalar_prefetch = 0 : i64, scratch_operands = 4 : i64, tpu.core_type = #tpu.core_type<sc_vector_subcore>, window_params = [{transform_indices = #map}, {transform_indices = #map}, {transform_indices = #map}, {transform_indices = #map}]} {
    %mul3A = arith.constant 2 : i32
    %mul3A_0 = arith.muli %arg1, %mul3A : i32
    %add3A = arith.addi %mul3A_0, %arg0 : i32
    %mul3A_1 = arith.constant 31360 : i32
    %mul3A_2 = arith.muli %add3A, %mul3A_1 : i32
    "tpu.region"() ({
      %run_scoped3A = tpu.sem_alloc : memref<!tpu.dma_semaphore, #tpu.memory_space<semaphore_mem>>
      %dma_start3A = tpu.memref_slice %arg2[%mul3A_2] : memref<1003520xi32, #tpu.memory_space<hbm>> -> memref<31360xi32, #tpu.memory_space<hbm>>
      %dma_start3A_55 = tpu.memref_slice %arg2[%mul3A_2] : memref<1003520xi32, #tpu.memory_space<hbm>> -> memref<31360xi32, #tpu.memory_space<hbm>>
      tpu.enqueue_dma source(%dma_start3A_55 : memref<31360xi32, #tpu.memory_space<hbm>>) target(%arg6 : memref<31360xi32, #tpu.memory_space<vmem>>) target_semaphore(%run_scoped3A : memref<!tpu.dma_semaphore, #tpu.memory_space<semaphore_mem>>)
      %dma_wait3A = tpu.memref_slice %arg2[%mul3A_2] : memref<1003520xi32, #tpu.memory_space<hbm>> -> memref<31360xi32, #tpu.memory_space<hbm>>
      %dma_wait3A_56 = tpu.memref_slice %arg2[%mul3A_2] : memref<1003520xi32, #tpu.memory_space<hbm>> -> memref<31360xi32, #tpu.memory_space<hbm>>
      tpu.wait_dma2 semaphore(%run_scoped3A : memref<!tpu.dma_semaphore, #tpu.memory_space<semaphore_mem>>) src(%dma_wait3A_56 : memref<31360xi32, #tpu.memory_space<hbm>>) dst(%arg6 : memref<31360xi32, #tpu.memory_space<vmem>>)
      tpu.yield
    }) : () -> ()
    "tpu.region"() ({
      %run_scoped3A = tpu.sem_alloc : memref<!tpu.dma_semaphore, #tpu.memory_space<semaphore_mem>>
      %dma_start3A = tpu.memref_slice %arg3[%mul3A_2] : memref<1003520xi32, #tpu.memory_space<hbm>> -> memref<31360xi32, #tpu.memory_space<hbm>>
      %dma_start3A_55 = tpu.memref_slice %arg3[%mul3A_2] : memref<1003520xi32, #tpu.memory_space<hbm>> -> memref<31360xi32, #tpu.memory_space<hbm>>
      tpu.enqueue_dma source(%dma_start3A_55 : memref<31360xi32, #tpu.memory_space<hbm>>) target(%arg7 : memref<31360xi32, #tpu.memory_space<vmem>>) target_semaphore(%run_scoped3A : memref<!tpu.dma_semaphore, #tpu.memory_space<semaphore_mem>>)
      %dma_wait3A = tpu.memref_slice %arg3[%mul3A_2] : memref<1003520xi32, #tpu.memory_space<hbm>> -> memref<31360xi32, #tpu.memory_space<hbm>>
      %dma_wait3A_56 = tpu.memref_slice %arg3[%mul3A_2] : memref<1003520xi32, #tpu.memory_space<hbm>> -> memref<31360xi32, #tpu.memory_space<hbm>>
      tpu.wait_dma2 semaphore(%run_scoped3A : memref<!tpu.dma_semaphore, #tpu.memory_space<semaphore_mem>>) src(%dma_wait3A_56 : memref<31360xi32, #tpu.memory_space<hbm>>) dst(%arg7 : memref<31360xi32, #tpu.memory_space<vmem>>)
      tpu.yield
    }) : () -> ()
    %broadcast_in_dim3A = arith.constant 0 : i32
    %broadcast_in_dim3A_3 = vector.broadcast %broadcast_in_dim3A : i32 to vector<16xi32>
    %swap3A = arith.constant 0 : index
    %swap3A_4 = tpu.vector_load %arg9[%swap3A] {strides = array<i32>} : memref<352xi32, #tpu.memory_space<vmem>>, vector<16xi32>,
    tpu.vector_store %arg9[%swap3A], %broadcast_in_dim3A_3 {strides = array<i32>} : memref<352xi32, #tpu.memory_space<vmem>>, vector<16xi32>,
    %swap3A_5 = arith.constant 16 : index
    %swap3A_6 = tpu.vector_load %arg9[%swap3A_5] {strides = array<i32>} : memref<352xi32, #tpu.memory_space<vmem>>, vector<16xi32>,
    tpu.vector_store %arg9[%swap3A_5], %broadcast_in_dim3A_3 {strides = array<i32>} : memref<352xi32, #tpu.memory_space<vmem>>, vector<16xi32>,
    %swap3A_7 = arith.constant 32 : index
    %swap3A_8 = tpu.vector_load %arg9[%swap3A_7] {strides = array<i32>} : memref<352xi32, #tpu.memory_space<vmem>>, vector<16xi32>,
    tpu.vector_store %arg9[%swap3A_7], %broadcast_in_dim3A_3 {strides = array<i32>} : memref<352xi32, #tpu.memory_space<vmem>>, vector<16xi32>,
    %swap3A_9 = arith.constant 48 : index
    %swap3A_10 = tpu.vector_load %arg9[%swap3A_9] {strides = array<i32>} : memref<352xi32, #tpu.memory_space<vmem>>, vector<16xi32>,
    tpu.vector_store %arg9[%swap3A_9], %broadcast_in_dim3A_3 {strides = array<i32>} : memref<352xi32, #tpu.memory_space<vmem>>, vector<16xi32>,
    %swap3A_11 = arith.constant 64 : index
    %swap3A_12 = tpu.vector_load %arg9[%swap3A_11] {strides = array<i32>} : memref<352xi32, #tpu.memory_space<vmem>>, vector<16xi32>,
    tpu.vector_store %arg9[%swap3A_11], %broadcast_in_dim3A_3 {strides = array<i32>} : memref<352xi32, #tpu.memory_space<vmem>>, vector<16xi32>,
    %swap3A_13 = arith.constant 80 : index
    %swap3A_14 = tpu.vector_load %arg9[%swap3A_13] {strides = array<i32>} : memref<352xi32, #tpu.memory_space<vmem>>, vector<16xi32>,
    tpu.vector_store %arg9[%swap3A_13], %broadcast_in_dim3A_3 {strides = array<i32>} : memref<352xi32, #tpu.memory_space<vmem>>, vector<16xi32>,
    %swap3A_15 = arith.constant 96 : index
    %swap3A_16 = tpu.vector_load %arg9[%swap3A_15] {strides = array<i32>} : memref<352xi32, #tpu.memory_space<vmem>>, vector<16xi32>,
    tpu.vector_store %arg9[%swap3A_15], %broadcast_in_dim3A_3 {strides = array<i32>} : memref<352xi32, #tpu.memory_space<vmem>>, vector<16xi32>,
    %swap3A_17 = arith.constant 112 : index
    %swap3A_18 = tpu.vector_load %arg9[%swap3A_17] {strides = array<i32>} : memref<352xi32, #tpu.memory_space<vmem>>, vector<16xi32>,
    tpu.vector_store %arg9[%swap3A_17], %broadcast_in_dim3A_3 {strides = array<i32>} : memref<352xi32, #tpu.memory_space<vmem>>, vector<16xi32>,
    %swap3A_19 = arith.constant 128 : index
    %swap3A_20 = tpu.vector_load %arg9[%swap3A_19] {strides = array<i32>} : memref<352xi32, #tpu.memory_space<vmem>>, vector<16xi32>,
    tpu.vector_store %arg9[%swap3A_19], %broadcast_in_dim3A_3 {strides = array<i32>} : memref<352xi32, #tpu.memory_space<vmem>>, vector<16xi32>,
    %swap3A_21 = arith.constant 144 : index
    %swap3A_22 = tpu.vector_load %arg9[%swap3A_21] {strides = array<i32>} : memref<352xi32, #tpu.memory_space<vmem>>, vector<16xi32>,
    tpu.vector_store %arg9[%swap3A_21], %broadcast_in_dim3A_3 {strides = array<i32>} : memref<352xi32, #tpu.memory_space<vmem>>, vector<16xi32>,
    %swap3A_23 = arith.constant 160 : index
    %swap3A_24 = tpu.vector_load %arg9[%swap3A_23] {strides = array<i32>} : memref<352xi32, #tpu.memory_space<vmem>>, vector<16xi32>,
    tpu.vector_store %arg9[%swap3A_23], %broadcast_in_dim3A_3 {strides = array<i32>} : memref<352xi32, #tpu.memory_space<vmem>>, vector<16xi32>,
    %swap3A_25 = arith.constant 176 : index
    %swap3A_26 = tpu.vector_load %arg9[%swap3A_25] {strides = array<i32>} : memref<352xi32, #tpu.memory_space<vmem>>, vector<16xi32>,
    tpu.vector_store %arg9[%swap3A_25], %broadcast_in_dim3A_3 {strides = array<i32>} : memref<352xi32, #tpu.memory_space<vmem>>, vector<16xi32>,
    %swap3A_27 = arith.constant 192 : index
    %swap3A_28 = tpu.vector_load %arg9[%swap3A_27] {strides = array<i32>} : memref<352xi32, #tpu.memory_space<vmem>>, vector<16xi32>,
    tpu.vector_store %arg9[%swap3A_27], %broadcast_in_dim3A_3 {strides = array<i32>} : memref<352xi32, #tpu.memory_space<vmem>>, vector<16xi32>,
    %swap3A_29 = arith.constant 208 : index
    %swap3A_30 = tpu.vector_load %arg9[%swap3A_29] {strides = array<i32>} : memref<352xi32, #tpu.memory_space<vmem>>, vector<16xi32>,
    tpu.vector_store %arg9[%swap3A_29], %broadcast_in_dim3A_3 {strides = array<i32>} : memref<352xi32, #tpu.memory_space<vmem>>, vector<16xi32>,
    %swap3A_31 = arith.constant 224 : index
    %swap3A_32 = tpu.vector_load %arg9[%swap3A_31] {strides = array<i32>} : memref<352xi32, #tpu.memory_space<vmem>>, vector<16xi32>,
    tpu.vector_store %arg9[%swap3A_31], %broadcast_in_dim3A_3 {strides = array<i32>} : memref<352xi32, #tpu.memory_space<vmem>>, vector<16xi32>,
    %swap3A_33 = arith.constant 240 : index
    %swap3A_34 = tpu.vector_load %arg9[%swap3A_33] {strides = array<i32>} : memref<352xi32, #tpu.memory_space<vmem>>, vector<16xi32>,
    tpu.vector_store %arg9[%swap3A_33], %broadcast_in_dim3A_3 {strides = array<i32>} : memref<352xi32, #tpu.memory_space<vmem>>, vector<16xi32>,
    %swap3A_35 = arith.constant 256 : index
    %swap3A_36 = tpu.vector_load %arg9[%swap3A_35] {strides = array<i32>} : memref<352xi32, #tpu.memory_space<vmem>>, vector<16xi32>,
    tpu.vector_store %arg9[%swap3A_35], %broadcast_in_dim3A_3 {strides = array<i32>} : memref<352xi32, #tpu.memory_space<vmem>>, vector<16xi32>,
    %swap3A_37 = arith.constant 272 : index
    %swap3A_38 = tpu.vector_load %arg9[%swap3A_37] {strides = array<i32>} : memref<352xi32, #tpu.memory_space<vmem>>, vector<16xi32>,
    tpu.vector_store %arg9[%swap3A_37], %broadcast_in_dim3A_3 {strides = array<i32>} : memref<352xi32, #tpu.memory_space<vmem>>, vector<16xi32>,
    %swap3A_39 = arith.constant 288 : index
    %swap3A_40 = tpu.vector_load %arg9[%swap3A_39] {strides = array<i32>} : memref<352xi32, #tpu.memory_space<vmem>>, vector<16xi32>,
    tpu.vector_store %arg9[%swap3A_39], %broadcast_in_dim3A_3 {strides = array<i32>} : memref<352xi32, #tpu.memory_space<vmem>>, vector<16xi32>,
    %swap3A_41 = arith.constant 304 : index
    %swap3A_42 = tpu.vector_load %arg9[%swap3A_41] {strides = array<i32>} : memref<352xi32, #tpu.memory_space<vmem>>, vector<16xi32>,
    tpu.vector_store %arg9[%swap3A_41], %broadcast_in_dim3A_3 {strides = array<i32>} : memref<352xi32, #tpu.memory_space<vmem>>, vector<16xi32>,
    %swap3A_43 = arith.constant 320 : index
    %swap3A_44 = tpu.vector_load %arg9[%swap3A_43] {strides = array<i32>} : memref<352xi32, #tpu.memory_space<vmem>>, vector<16xi32>,
    tpu.vector_store %arg9[%swap3A_43], %broadcast_in_dim3A_3 {strides = array<i32>} : memref<352xi32, #tpu.memory_space<vmem>>, vector<16xi32>,
    %swap3A_45 = arith.constant 336 : index
    %swap3A_46 = tpu.vector_load %arg9[%swap3A_45] {strides = array<i32>} : memref<352xi32, #tpu.memory_space<vmem>>, vector<16xi32>,
    tpu.vector_store %arg9[%swap3A_45], %broadcast_in_dim3A_3 {strides = array<i32>} : memref<352xi32, #tpu.memory_space<vmem>>, vector<16xi32>,
    %iota3A = tpu.iota {dimensions = array<i32: 0>} : vector<16xi32>
    %broadcast_in_dim3A_47 = arith.constant 1 : i32
    %broadcast_in_dim3A_48 = vector.broadcast %broadcast_in_dim3A_47 : i32 to vector<16xi32>
    %scan3A = arith.constant 0 : i32
    %scan3A_49 = arith.constant 980 : i32
    %scan3A_50 = arith.addi %scan3A, %scan3A_49 : i32
    %scan3A_51 = arith.constant 1 : i32
    scf.for %scan3A_55 = %scan3A to %scan3A_50 step %scan3A_51  : i32 {
      %mul3A_56 = arith.constant 1 : i32
      %mul3A_57 = arith.muli %scan3A_55, %mul3A_56 : i32
      %add3A_58 = arith.constant 0 : i32
      %add3A_59 = arith.addi %add3A_58, %mul3A_57 : i32
      %mul3A_60 = arith.constant 980 : i32
      %mul3A_61 = vector.broadcast %mul3A_60 : i32 to vector<16xi32>
      %mul3A_62 = arith.muli %iota3A, %mul3A_61 : vector<16xi32>
      %add3A_63 = arith.constant 0 : i32
      %add3A_64 = vector.broadcast %add3A_63 : i32 to vector<16xi32>
      %add3A_65 = arith.addi %add3A_64, %mul3A_62 : vector<16xi32>
      %add3A_66 = vector.broadcast %add3A_59 : i32 to vector<16xi32>
      %add3A_67 = arith.addi %add3A_65, %add3A_66 : vector<16xi32>
      %gather3A = tpu.vector_load_idx %arg6[%add3A_67] : memref<31360xi32, #tpu.memory_space<vmem>>[vector<16xi32>], vector<16xi32>,
      %gather3A_68 = tpu.vector_load_idx %arg7[%add3A_67] : memref<31360xi32, #tpu.memory_space<vmem>>[vector<16xi32>], vector<16xi32>,
      %mul3A_69 = arith.constant 7 : i32
      %mul3A_70 = vector.broadcast %mul3A_69 : i32 to vector<16xi32>
      %mul3A_71 = arith.muli %gather3A, %mul3A_70 : vector<16xi32>
      %add3A_72 = arith.addi %mul3A_71, %gather3A_68 : vector<16xi32>
      %jit3A = arith.constant 11 : i32
      %eq3A = arith.constant 0 : i32
      %eq3A_73 = arith.cmpi eq, %jit3A, %eq3A : i32
      %jit3A_74 = arith.constant 1 : i32
      %select_n3A = arith.select %eq3A_73, %jit3A_74, %jit3A : i32
      %rem3A = vector.broadcast %select_n3A : i32 to vector<16xi32>
      %rem3A_75 = arith.remsi %add3A_72, %rem3A : vector<16xi32>
      %ne3A = arith.constant 0 : i32
      %ne3A_76 = vector.broadcast %ne3A : i32 to vector<16xi32>
      %ne3A_77 = arith.cmpi ne, %rem3A_75, %ne3A_76 : vector<16xi32>
      %lt3A = arith.constant 0 : i32
      %lt3A_78 = vector.broadcast %lt3A : i32 to vector<16xi32>
      %lt3A_79 = arith.cmpi slt, %rem3A_75, %lt3A_78 : vector<16xi32>
      %lt3A_80 = arith.constant 0 : i32
      %lt3A_81 = arith.cmpi slt, %select_n3A, %lt3A_80 : i32
      %ne3A_82 = vector.broadcast %lt3A_81 : i1 to vector<16xi1>
      %ne3A_83 = vector.broadcast %ne3A_82 : vector<16xi1> to vector<16xi1>
      %ne3A_84 = arith.xori %lt3A_79, %ne3A_83 : vector<16xi1>
      %and3A = arith.andi %ne3A_84, %ne3A_77 : vector<16xi1>
      %add3A_85 = vector.broadcast %select_n3A : i32 to vector<16xi32>
      %add3A_86 = arith.addi %rem3A_75, %add3A_85 : vector<16xi32>
      %select_n3A_87 = arith.select %and3A, %add3A_86, %rem3A_75 : vector<16xi1>, vector<16xi32>
      tpu.vector_store_idx %arg8[%add3A_67], %select_n3A_87 : memref<31360xi32, #tpu.memory_space<vmem>>[vector<16xi32>], vector<16xi32>,
      %add3A_88 = arith.constant 0 : i32
      %add3A_89 = vector.broadcast %add3A_88 : i32 to vector<16xi32>
      %add3A_90 = arith.addi %add3A_89, %iota3A : vector<16xi32>
      %mul3A_91 = arith.constant 11 : i32
      %mul3A_92 = vector.broadcast %mul3A_91 : i32 to vector<16xi32>
      %mul3A_93 = arith.muli %add3A_90, %mul3A_92 : vector<16xi32>
      %add3A_94 = arith.addi %mul3A_93, %select_n3A_87 : vector<16xi32>
      tpu.vector_store_idx %arg9[%add3A_94], %broadcast_in_dim3A_48 {add = true} : memref<352xi32, #tpu.memory_space<vmem>>[vector<16xi32>], vector<16xi32>,
      %mul3A_95 = arith.constant 980 : i32
      %mul3A_96 = vector.broadcast %mul3A_95 : i32 to vector<16xi32>
      %mul3A_97 = arith.muli %iota3A, %mul3A_96 : vector<16xi32>
      %add3A_98 = arith.constant 15680 : i32
      %add3A_99 = vector.broadcast %add3A_98 : i32 to vector<16xi32>
      %add3A_100 = arith.addi %add3A_99, %mul3A_97 : vector<16xi32>
      %add3A_101 = vector.broadcast %add3A_59 : i32 to vector<16xi32>
      %add3A_102 = arith.addi %add3A_100, %add3A_101 : vector<16xi32>
      %gather3A_103 = tpu.vector_load_idx %arg6[%add3A_102] : memref<31360xi32, #tpu.memory_space<vmem>>[vector<16xi32>], vector<16xi32>,
      %gather3A_104 = tpu.vector_load_idx %arg7[%add3A_102] : memref<31360xi32, #tpu.memory_space<vmem>>[vector<16xi32>], vector<16xi32>,
      %mul3A_105 = arith.constant 7 : i32
      %mul3A_106 = vector.broadcast %mul3A_105 : i32 to vector<16xi32>
      %mul3A_107 = arith.muli %gather3A_103, %mul3A_106 : vector<16xi32>
      %add3A_108 = arith.addi %mul3A_107, %gather3A_104 : vector<16xi32>
      %jit3A_109 = arith.constant 11 : i32
      %eq3A_110 = arith.constant 0 : i32
      %eq3A_111 = arith.cmpi eq, %jit3A_109, %eq3A_110 : i32
      %jit3A_112 = arith.constant 1 : i32
      %select_n3A_113 = arith.select %eq3A_111, %jit3A_112, %jit3A_109 : i32
      %rem3A_114 = vector.broadcast %select_n3A_113 : i32 to vector<16xi32>
      %rem3A_115 = arith.remsi %add3A_108, %rem3A_114 : vector<16xi32>
      %ne3A_116 = arith.constant 0 : i32
      %ne3A_117 = vector.broadcast %ne3A_116 : i32 to vector<16xi32>
      %ne3A_118 = arith.cmpi ne, %rem3A_115, %ne3A_117 : vector<16xi32>
      %lt3A_119 = arith.constant 0 : i32
      %lt3A_120 = vector.broadcast %lt3A_119 : i32 to vector<16xi32>
      %lt3A_121 = arith.cmpi slt, %rem3A_115, %lt3A_120 : vector<16xi32>
      %lt3A_122 = arith.constant 0 : i32
      %lt3A_123 = arith.cmpi slt, %select_n3A_113, %lt3A_122 : i32
      %ne3A_124 = vector.broadcast %lt3A_123 : i1 to vector<16xi1>
      %ne3A_125 = vector.broadcast %ne3A_124 : vector<16xi1> to vector<16xi1>
      %ne3A_126 = arith.xori %lt3A_121, %ne3A_125 : vector<16xi1>
      %and3A_127 = arith.andi %ne3A_126, %ne3A_118 : vector<16xi1>
      %add3A_128 = vector.broadcast %select_n3A_113 : i32 to vector<16xi32>
      %add3A_129 = arith.addi %rem3A_115, %add3A_128 : vector<16xi32>
      %select_n3A_130 = arith.select %and3A_127, %add3A_129, %rem3A_115 : vector<16xi1>, vector<16xi32>
      tpu.vector_store_idx %arg8[%add3A_102], %select_n3A_130 : memref<31360xi32, #tpu.memory_space<vmem>>[vector<16xi32>], vector<16xi32>,
      %add3A_131 = arith.constant 16 : i32
      %add3A_132 = vector.broadcast %add3A_131 : i32 to vector<16xi32>
      %add3A_133 = arith.addi %add3A_132, %iota3A : vector<16xi32>
      %mul3A_134 = arith.constant 11 : i32
      %mul3A_135 = vector.broadcast %mul3A_134 : i32 to vector<16xi32>
      %mul3A_136 = arith.muli %add3A_133, %mul3A_135 : vector<16xi32>
      %add3A_137 = arith.addi %mul3A_136, %select_n3A_130 : vector<16xi32>
      tpu.vector_store_idx %arg9[%add3A_137], %broadcast_in_dim3A_48 {add = true} : memref<352xi32, #tpu.memory_space<vmem>>[vector<16xi32>], vector<16xi32>,
    }
    %scan3A_52 = arith.constant 980 : i32
    "tpu.region"() ({
      %run_scoped3A = tpu.sem_alloc : memref<!tpu.dma_semaphore, #tpu.memory_space<semaphore_mem>>
      %dma_start3A = tpu.memref_slice %arg4[%mul3A_2] : memref<1003520xi32, #tpu.memory_space<hbm>> -> memref<31360xi32, #tpu.memory_space<hbm>>
      %dma_start3A_55 = tpu.memref_slice %arg4[%mul3A_2] : memref<1003520xi32, #tpu.memory_space<hbm>> -> memref<31360xi32, #tpu.memory_space<hbm>>
      tpu.enqueue_dma source(%arg8 : memref<31360xi32, #tpu.memory_space<vmem>>) target(%dma_start3A_55 : memref<31360xi32, #tpu.memory_space<hbm>>) target_semaphore(%run_scoped3A : memref<!tpu.dma_semaphore, #tpu.memory_space<semaphore_mem>>)
      %dma_wait3A = tpu.memref_slice %arg4[%mul3A_2] : memref<1003520xi32, #tpu.memory_space<hbm>> -> memref<31360xi32, #tpu.memory_space<hbm>>
      %dma_wait3A_56 = tpu.memref_slice %arg4[%mul3A_2] : memref<1003520xi32, #tpu.memory_space<hbm>> -> memref<31360xi32, #tpu.memory_space<hbm>>
      tpu.wait_dma2 semaphore(%run_scoped3A : memref<!tpu.dma_semaphore, #tpu.memory_space<semaphore_mem>>) src(%arg8 : memref<31360xi32, #tpu.memory_space<vmem>>) dst(%dma_wait3A_56 : memref<31360xi32, #tpu.memory_space<hbm>>)
      tpu.yield
    }) : () -> ()
    %mul3A_53 = arith.constant 352 : i32
    %mul3A_54 = arith.muli %add3A, %mul3A_53 : i32
    "tpu.region"() ({
      %run_scoped3A = tpu.sem_alloc : memref<!tpu.dma_semaphore, #tpu.memory_space<semaphore_mem>>
      %dma_start3A = tpu.memref_slice %arg5[%mul3A_54] : memref<11264xi32, #tpu.memory_space<hbm>> -> memref<352xi32, #tpu.memory_space<hbm>>
      %dma_start3A_55 = tpu.memref_slice %arg5[%mul3A_54] : memref<11264xi32, #tpu.memory_space<hbm>> -> memref<352xi32, #tpu.memory_space<hbm>>
      tpu.enqueue_dma source(%arg9 : memref<352xi32, #tpu.memory_space<vmem>>) target(%dma_start3A_55 : memref<352xi32, #tpu.memory_space<hbm>>) target_semaphore(%run_scoped3A : memref<!tpu.dma_semaphore, #tpu.memory_space<semaphore_mem>>)
      %dma_wait3A = tpu.memref_slice %arg5[%mul3A_54] : memref<11264xi32, #tpu.memory_space<hbm>> -> memref<352xi32, #tpu.memory_space<hbm>>
      %dma_wait3A_56 = tpu.memref_slice %arg5[%mul3A_54] : memref<11264xi32, #tpu.memory_space<hbm>> -> memref<352xi32, #tpu.memory_space<hbm>>
      tpu.wait_dma2 semaphore(%run_scoped3A : memref<!tpu.dma_semaphore, #tpu.memory_space<semaphore_mem>>) src(%arg9 : memref<352xi32, #tpu.memory_space<vmem>>) dst(%dma_wait3A_56 : memref<352xi32, #tpu.memory_space<hbm>>)
      tpu.yield
    }) : () -> ()
    return
  }
}

</mosaic_0001>

<sc_bundles>
// kernel: _hist_call.3.cloned.1.call-start
scs
__scs_entry_jumppad:
0x0: {  	(pc) =	sbr.rel $0x88, $3  }
0x1: {  	(tag) =	ssettag $0x0;
	lr =	simm.s32 $0x1  }
0x2: {  	[smem:$0x3F9F] =	sst lr;
	_ =	strace $0xD0000000  }
0x3: {  	_ = 	snop  }
0x4: {  	_ = 	snop  }
0x5: {  	_ = 	snop  }
0x6: {  	_ = 	snop  }
0x7: {  	_ = 	snop  }
__scs_overlays_trampoline_lowered:
0x8: {  	[smem:$0x3FAE] =	sst s0  }
0x9: {  	[smem:$0x3FAF] =	sst s1  }
0xa: {  	[smem:$0x3FB0] =	sst s2  }
0xb: {  	[smem:$0x3FB1] =	sst s3  }
0xc: {  	[smem:$0x3FB2] =	sst s4  }
0xd: {  	[smem:$0x3FB3] =	sst s5  }
0xe: {  	[smem:$0x3FB4] =	sst s6  }
0xf: {  	[smem:$0x3FB5] =	sst s7  }
0x10: {  	[smem:$0x3FB6] =	sst s8  }
0x11: {  	[smem:$0x3FB7] =	sst s9;
	s0 =	simm.s32 @!p0 $0x0  }
0x12: {  	s1 =	sld [smem:$0x3F9D];
	s0 =	simm.s32 @p0 $0x1  }
0x13: {  	[smem:$0x3FB8] =	sst s0;
	s0 =	simm.s32 @!p1 $0x0  }
0x14: {  	s2 =	sld [smem:$0x3F9C];
	s0 =	simm.s32 @p1 $0x1  }
0x15: {  	[smem:$0x3FB9] =	sst s0;
	s0 =	simm.s32 @!p2 $0x0  }
0x16: {  	s3 =	sld [smem:$0x3FDB];
	s0 =	simm.s32 @p2 $0x1  }
0x17: {  	s4 =	simm.s32 $0x1BF5;
	[smem:$0x3FBB] =	sst s0  }
0x18: {  	s0 =	sld [smem:$0x3F9E];
	_ =	swait.ge [sflag:s4], $0x0  }
0x19: {  	s7 =	sld [smem:$0x3F9F]  }
0x1a: {  	s8 =	sadd.s32 $0xFFFFE003, lr  }
0x1b: {  	s9 =	sadd.s32 $0xFFFFFEF7, lr;
	s5 =	simm.s32 $0xFFFFFFFF;
	p2 =	slt.u32 s8, $0xFFFFF086  }
0x1c: {  	p1 =	slt.u32 s9, $0xF7A;
	s5 =	simm.s32 @!p2 $0x0  }
0x1d: {  	s5 =	simm.s32 @p1 $0x1;
	p0 =	seq.s32 s7, s2  }
0x1e: {  	s7 =	smul.u32 @!p0 $0xF7A, s2;
	p2 =	seq.s32 @!p0 s5, $0x0  }
0x1f: {  	s9 =	smul.u32 $0xF7A, s1;
	s8 =	simm.s32 @!p0 $0x1BF5;
	p2 =	por !p2, p0  }
0x20: {  	[sflag:s8] =	ssyncset.s32 @!p0 $0xFFFFF086;
	s6 =	sadd.s32 @!p0 s3, s7;
	s7 =	simm.s32 @!p0 $0x108  }
0x21: {  	s3 =	sadd.s32 s3, s9;
	s6 =	sadd.s32 @!p0 $0x88, s6;
	s7 =	simm.s32 @p2 $0x1082  }
0x22: {  	[simem:s7], [sflag:s8] =	dma.local @!p0 [hbm:s6], $0xF7A  }
0x23: {  	s9 =	sor.u32 $0xD0000000, s2;
	s6 =	simm.s32 $0x108;
	_ =	swait.ge @!p0 [sflag:s8], $0x0  }
0x24: {  	s3 =	sadd.s32 $0x88, s3;
	s6 =	simm.s32 @!p1 $0x1082;
	[sflag:s4] =	ssyncset.s32 $0xFFFFF086  }
0x25: {  	[simem:s6], [sflag:s4] =	dma.local [hbm:s3], $0xF7A  }
0x26: {  	[smem:$0x3F9F] =	sst s1;
	(tag) =	ssettag s2;
	_ =	strace s9  }
0x27: {  	s1 =	sld [smem:$0x3FAF]  }
0x28: {  	s2 =	sld [smem:$0x3FB0]  }
0x29: {  	s4 =	sld [smem:$0x3FB2]  }
0x2a: {  	p0 =	seq.s32 s5, $0x0;
	s5 =	sld [smem:$0x3FB3]  }
0x2b: {  	s6 =	sld [smem:$0x3FB4]  }
0x2c: {  	s7 =	sld [smem:$0x3FB5]  }
0x2d: {  	s3 =	simm.s32 $0x108;
	s8 =	sld [smem:$0x3FB6]  }
0x2e: {  	s3 =	simm.s32 @!p0 $0x1082;
	s9 =	sld [smem:$0x3FB7]  }
0x2f: {  	lr =	sadd.s32 s0, s3;
	s0 =	sld [smem:$0x3FAE]  }
0x30: {  	s3 =	sld [smem:$0x3FB1]  }
0x31: {  	[smem:$0x3FBA] =	sst s10  }
0x32: {  	s10 =	sld [smem:$0x3FB8];
	_ =	sdelay $0x3  }
0x33: {  	p0 =	seq.s32 s10, $0x1;
	s10 =	sld [smem:$0x3FBA];
	_ =	sdelay $0x3  }
0x34: {  	[smem:$0x3FBA] =	sst s10  }
0x35: {  	s10 =	sld [smem:$0x3FB9];
	_ =	sdelay $0x3  }
0x36: {  	p1 =	seq.s32 s10, $0x1;
	s10 =	sld [smem:$0x3FBA];
	_ =	sdelay $0x3  }
0x37: {  	[smem:$0x3FBA] =	sst s10  }
0x38: {  	s10 =	sld [smem:$0x3FBB]  }
0x39: {  	_ = 	snop;
	(pc) =	sbr.ind lr, $3  }
0x3a: {  	_ = 	snop  }
0x3b: {  	_ = 	snop  }
0x3c: {  	p2 =	seq.s32 s10, $0x1;
	s10 =	sld [smem:$0x3FBA]  }
0x3d: {  	_ =	shalt  }
0x3e: {  	_ =	shalt  }
0x3f: {  	_ =	shalt  }
0x40: {  	_ =	shalt  }
0x41: {  	_ =	shalt  }
0x42: {  	_ =	shalt  }
0x43: {  	_ =	shalt  }
0x44: {  	_ =	shalt  }
0x45: {  	_ =	shalt  }
0x46: {  	_ =	shalt  }
0x47: {  	_ =	shalt  }
0x48: {  	_ =	shalt  }
0x49: {  	_ =	shalt  }
0x4a: {  	_ =	shalt  }
0x4b: {  	_ =	shalt  }
0x4c: {  	_ =	shalt  }
0x4d: {  	_ =	shalt  }
0x4e: {  	_ =	shalt  }
0x4f: {  	_ =	shalt  }
0x50: {  	_ =	shalt  }
0x51: {  	_ =	shalt  }
0x52: {  	_ =	shalt  }
0x53: {  	_ =	shalt  }
0x54: {  	_ =	shalt  }
0x55: {  	_ =	shalt  }
0x56: {  	_ =	shalt  }
0x57: {  	_ =	shalt  }
0x58: {  	_ =	shalt  }
0x59: {  	_ =	shalt  }
0x5a: {  	_ =	shalt  }
0x5b: {  	_ =	shalt  }
0x5c: {  	_ =	shalt  }
0x5d: {  	_ =	shalt  }
0x5e: {  	_ =	shalt  }
0x5f: {  	_ =	shalt  }
0x60: {  	_ =	shalt  }
0x61: {  	_ =	shalt  }
0x62: {  	_ =	shalt  }
0x63: {  	_ =	shalt  }
0x64: {  	_ =	shalt  }
0x65: {  	_ =	shalt  }
0x66: {  	_ =	shalt  }
0x67: {  	_ =	shalt  }
0x68: {  	_ =	shalt  }
0x69: {  	_ =	shalt  }
0x6a: {  	_ =	shalt  }
0x6b: {  	_ =	shalt  }
0x6c: {  	_ =	shalt  }
0x6d: {  	_ =	shalt  }
0x6e: {  	_ =	shalt  }
0x6f: {  	_ =	shalt  }
0x70: {  	_ =	shalt  }
0x71: {  	_ =	shalt  }
0x72: {  	_ =	shalt  }
0x73: {  	_ =	shalt  }
0x74: {  	_ =	shalt  }
0x75: {  	_ =	shalt  }
0x76: {  	_ =	shalt  }
0x77: {  	_ =	shalt  }
0x78: {  	_ =	shalt  }
0x79: {  	_ =	shalt  }
0x7a: {  	_ =	shalt  }
0x7b: {  	_ =	shalt  }
0x7c: {  	_ =	shalt  }
0x7d: {  	_ =	shalt  }
0x7e: {  	_ =	shalt  }
0x7f: {  	_ =	shalt  }
0x80: {  	_ =	shalt  }
0x81: {  	_ =	shalt  }
0x82: {  	_ =	shalt  }
0x83: {  	_ =	shalt  }
0x84: {  	_ =	shalt  }
0x85: {  	_ =	shalt  }
0x86: {  	_ =	shalt  }
0x87: {  	_ =	shalt  }
.Lfunc_end0:
.L_simem_size_0:
called_computation_lowered:
.L_overlay_start_0:
0x88: {  	s2 =	sld [smem:$0x3FD9]  }
0x89: {  	s3 =	sld [smem:$0x3FFE];
	_ =	sdelay $0x1  }
0x8a: {  	s1 =	srdreg.scid  }
0x8b: {  	s0 =	sand.u32 $0x1, s1  }
0x8c: {  	s15 =	sshll.u32 s0, $0xA;
	s2 =	sadd.s32 s3, s2  }
0x8d: {  	s2 =	sadd.s32 s2, s15  }
0x8e: {  	[smem:$0x3FC6] =	sst s2  }
0x8f: {  	_ = 	snop  }
0x90: {  	s2 =	sld [smem:$0x3FD0];
	_ =	sdelay $0x1  }
0x91: {  	s16 =	sld [smem:$0x3FC9]  }
0x92: {  	s5 =	simm.s32 $0xA;
	s6 =	simm.s32 $0x10;
	s4 =	sld [smem:$0x3FC8]  }
0x93: {  	[smem:s6], [sflag:s5] =	dma.local [hbm:s2], $0x1  }
0x94: {  	_ =	swait.eq [sflag:s5], $0x1  }
0x95: {  	[sflag:s5] =	ssyncset.done $0x0  }
0x96: {  	s17 =	sld [smem:$0x10];
	[sflag:s5] =	ssyncadd.s32 $0xFFFFFFFF  }
0x97: {  	s18 =	sld [smem:$0x11];
	(tm) =	ssettm $0x1  }
0x98: {  	s19 =	sld [smem:$0x3FFB];
	_ =	sdelay $0x3  }
0x99: {  	_ =	strace s19  }
0x9a: {  	s6 =	sld [smem:$0x3FFC];
	_ =	sdelay $0x3  }
0x9b: {  	_ =	strace s6  }
0x9c: {  	s6 =	sld [smem:$0x3FFD];
	_ =	sdelay $0x3  }
0x9d: {  	_ =	strace s6  }
0x9e: {  	_ =	strace $0x8FFFFFFF  }
0x9f: {  	s20 =	sld [smem:$0x3FDB];
	_ =	sdelay $0x1  }
0xa0: {  	s7 =	simm.s32 $_scs_section_size  }
0xa1: {  	s8 =	simm.s32 $_size__tile_overlayer_lowered;
	s9 =	simm.s32 $_tile_overlayer_lowered  }
0xa2: {  	s23 =	simm.s32 $0x1BFF;
	s22 =	sshll.u32 s9, $0x1;
	s6 =	sadd.s32 s7, s20  }
0xa3: {  	s10 =	simm.s32 $0x0;
	s21 =	sshll.u32 s8, $0x1;
	s8 =	sadd.s32 s22, s6  }
0xa4: {  	[timem:s10], [sflag:s23] =	dma.local [hbm:s8], s21  }
0xa5: {  	_ =	swait.ge [sflag:s23], s21  }
0xa6: {  	s7 =	ssub.s32 $0x0, s21;
	[sflag:s23] =	ssyncset.done $0x0  }
0xa7: {  	[sflag:s23] =	ssyncadd.s32 s7;
	_ =	sdelay $0x1  }
0xa8: {  	s24 =	simm.s32 $0x1B8B  }
0xa9: {  	_ =	swait.ge [sflag:s24], $0x1  }
0xaa: {  	[sflag:s24] =	ssyncset.done $0x0  }
0xab: {  	s25 =	simm.s32 $0x1B8E;
	[sflag:s24] =	ssyncadd.s32 $0xFFFFFFFF  }
0xac: {  	s26 =	simm.s32 $execute0_lowered;
	[smem:$0x3FD2] =	sst s25  }
0xad: {  	s7 =	sshll.u32 s26, $0x1;
	_ =	strace $0x80000046;
	[dreg:$0x1] =	wrdreg $0xFFFFFFFF  }
0xae: {  	s28 =	simm.s32 $_size_execute0_lowered;
	s6 =	sadd.s32 s6, s7;
	[dreg:$0x0] =	wrdreg $0x0  }
0xaf: {  	s7 =	sshll.u32 s28, $0x1;
	[dreg:$0x2] =	wrdreg s6  }
0xb0: {  	[dreg:$0x3] =	wrdreg s7  }
0xb1: {  	[dreg:$0x4] =	wrdreg $0xC0  }
0xb2: {  	_ =	task [dreg:s10], $0x5FFFF  }
0xb3: {  	[dreg:$0x1] =	wrdreg $0xFFFFFFFF  }
0xb4: {  	[dreg:$0x0] =	wrdreg $0x60  }
0xb5: {  	[dreg:$0x2] =	wrdreg s16  }
0xb6: {  	[dreg:$0x3] =	wrdreg s4  }
0xb7: {  	[dreg:$0x4] =	wrdreg s17  }
0xb8: {  	[dreg:$0x5] =	wrdreg s18  }
0xb9: {  	[dreg:$0x6] =	wrdreg $0x9  }
0xba: {  	_ =	task.clear_ibuf [dreg:s10], $0x7FFFF;
	_ =	strace $0x90000046  }
0xbb: {  	s29 =	simm.s32 $0x9;
	_ =	strace $0x80000048  }
0xbc: {  	_ =	swait.ge [sflag:s29], $0x1  }
0xbd: {  	[sflag:s29] =	ssyncadd.s32 $0xFFFFFFFF  }
0xbe: {  	_ =	strace $0x90000048  }
0xbf: {  	_ =	sfence  }
0xc0: {  	s30 =	sld [smem:$0x0];
	_ =	sdelay $0x2  }
0xc1: {  	s31 =	sshll.u32 s1, $0xD;
	s1 =	sshrl.u32 s1, $0x2  }
0xc2: {  	s3 =	sand.u32 $0x4000, s31;
	s1 =	sadd.s32 s1, s30  }
0xc3: {  	s0 =	sor.u32 s3, s0;
	s1 =	sshll.u32 s1, $0x11  }
0xc4: {  	s0 =	sor.u32 s1, s0  }
0xc5: {  	s0 =	sadd.s32 $0x8F2B, s0  }
0xc6: {  	[sflag:s0] =	ssyncadd.remote.s32 $0x1  }
0xc7: {  	_ =	sfence.sel $0xFFFF  }
0xc8: {  	[dreg:$0x0] =	wrdreg $0xFFFFFFFF;
	(pc) =	sbr.abs _section_cstart, $3  }
0xc9: {  	[dreg:$0x1] =	wrdreg $0xFFFFFFFF  }
0xca: {  	_ =	task.clear_ibuf [dreg:s10], $0x2FFFF;
	_ =	strace $0x9FFFFFFF  }
0xcb: {  	(tm) =	ssettm $0x7FFFFFFF  }
tec
execute0_lowered:
.L_overlay_start_1:
0x0: {  	(tag) =	ssettag $0x1  }
0x1: {  	s3 =	rddreg [dreg:$0x0]  }
0x2: {  	s1 =	srdreg.scid;
	s0 =	stileid.u32  }
0x3: {  	s4 =	rddreg [dreg:$0x1];
	s7 =	sand.u32 $0x1, s1;
	s2 =	sshll.u32 s0, $0x1  }
0x4: {  	s5 =	rddreg [dreg:$0x2];
	v0 =	vimm.s32 $0xECA86420;
	v4 =	vlaneseq.u32;
	vm0 =	vcmask $0xB08;
	s8 =	sor.u32 s7, s2  }
0x5: {  	s6 =	rddreg [dreg:$0x3];
	vm1 =	vcmask $0x1310;
	vm2 =	vcmask $0x1B18;
	s25 =	simm.s32 $0x0;
	vm3 =	vcmask $0x300;
	s9 =	smul.u32 $0xF50, s8  }
0x6: {  	vm4 =	vcmask $0x2320;
	vm5 =	vcmask $0x2B28;
	vm6 =	vcmask $0x3330;
	s11 =	simm.s32 $0xF500;
	[smem:$0x7FF] =	sst s25;
	s1 =	simm.s32 $0x0  }
0x7: {  	vm7 =	vcmask $0x3B38;
	vm8 =	vmmov $0xff;
	vm9 =	vcmask $0x704;
	s7 =	ssub.s32 $0x2, s7;
	_ =	strace $0x80000047;
	s26 =	sadd.s32 s3, s9  }
0x8: {  	vm10 =	vcmask $0xF0C;
	vm11 =	vcmask $0x1714;
	vm12 =	vcmask $0x1F1C;
	s8 =	smul.u32 $0x2C, s8;
	s28 =	sadd.s32 s4, s9;
	[dreg:$0x5] =	wrdreg s26  }
0x9: {  	vm13 =	vcmask $0x2724;
	vm14 =	vcmask $0x2F2C;
	v2 =	vunpack.c.l.s4.s8 v0;
	s10 =	sshrl.u32 s7, $0x1;
	s29 =	sadd.s32 s5, s9;
	[dreg:$0x6] =	wrdreg s28  }
0xa: {  	v1 =	vmul.u32 $0x3D4, v4;
	v3 =	vmul.u32 $0x2, v4;
	v4 =	vmul.u32 $0xB, v4;
	s7 =	ssub.s32 s7, s10;
	s30 =	sadd.s32 s6, s8;
	[dreg:$0x7] =	wrdreg s29  }
0xb: {  	vm15 =	vcmask $0x3734;
	v5 =	vimm.s32 $0x1;
	v0 =	vimm.s32 $0x0;
	s2 =	simm.s32 $0x1;
	s31 =	smax.u32 s7, $0x1;
	[dreg:$0x8] =	wrdreg s30  }
0xc: {  	v2 =	vunpack.c.0.s8.s32 v2;
	v6 =	vadd.s32 $0x3D40, v1;
	v7 =	vadd.s32 $0xB0, v4;
	s10 =	simm.s32 $0x0;
	s3 =	simm.s32 $0x7A80;
	[dreg:$0x9] =	wrdreg s31  }
.LBB2_1:
0xd: {  	[dreg:$0xa] =	wrdreg s1  }
0xe: {  	s0 =	simm.s32 $0x0;
	s30 =	rddreg [dreg:$0x5]  }
0xf: {  	[tilespmem:s0], [sflag:$0x1] =	stream.linear.gather [hbm4b:s30+s0], $0x7A80, $0x38;
	[tilespmem:$0x170E0] =	vst v63  }
0x10: {  	_ =	swait.ge [sflag:s2], $0x7A80  }
0x11: {  	[sflag:s2] =	ssyncset.done $0x0  }
0x12: {  	s31 =	rddreg [dreg:$0x6];
	[sflag:s2] =	ssyncadd.s32 $0xFFFF8580  }
0x13: {  	[tilespmem:s3], [sflag:$0x1] =	stream.linear.gather [hbm4b:s31+s0], $0x7A80, $0x38;
	[tilespmem:$0x170E0] =	vst v63  }
0x14: {  	_ =	swait.ge [sflag:s2], $0x7A80  }
0x15: {  	[sflag:s2] =	ssyncset.done $0x0  }
0x16: {  	[sflag:s2] =	ssyncadd.s32 $0xFFFF8580  }
0x17: {  	[tilespmem:$0x16F80] =	vst v0  }
0x18: {  	[tilespmem:$0x16F90] =	vst v0  }
0x19: {  	[tilespmem:$0x16FA0] =	vst v0  }
0x1a: {  	[tilespmem:$0x16FB0] =	vst v0  }
0x1b: {  	[tilespmem:$0x16FC0] =	vst v0  }
0x1c: {  	[tilespmem:$0x16FD0] =	vst v0  }
0x1d: {  	[tilespmem:$0x16FE0] =	vst v0  }
0x1e: {  	[tilespmem:$0x16FF0] =	vst v0  }
0x1f: {  	[tilespmem:$0x17000] =	vst v0  }
0x20: {  	[tilespmem:$0x17010] =	vst v0  }
0x21: {  	[tilespmem:$0x17020] =	vst v0  }
0x22: {  	[tilespmem:$0x17030] =	vst v0  }
0x23: {  	[tilespmem:$0x17040] =	vst v0  }
0x24: {  	[tilespmem:$0x17050] =	vst v0  }
0x25: {  	[tilespmem:$0x17060] =	vst v0  }
0x26: {  	[tilespmem:$0x17070] =	vst v0  }
0x27: {  	[tilespmem:$0x17080] =	vst v0  }
0x28: {  	[tilespmem:$0x17090] =	vst v0  }
0x29: {  	[tilespmem:$0x170A0] =	vst v0  }
0x2a: {  	[tilespmem:$0x170B0] =	vst v0  }
0x2b: {  	[tilespmem:$0x170C0] =	vst v0  }
0x2c: {  	s13 =	simm.s32 $0x0;
	[tilespmem:$0x170D0] =	vst v0  }
.LBB2_2:
0x2d: {  	v9 =	vadd.s32 s13, v1;
	_ =	sdelay $0x4  }
0x2e: {  	v8 =	vld.idx.msk [tilespmem:v9+s10+$0x0], $0xffff  }
0x2f: {  	s0 =	simm.s32 $0x7A80  }
0x30: {  	v10 =	vld.idx.msk [tilespmem:v9+s0+$0x0], $0xffff;
	_ =	sdelay $0x2  }
0x31: {  	v8 =	vmul.u32 $0x7, v8;
	_ =	sdelay $0x1  }
0x32: {  	v8 =	vadd.s32 v10, v8  }
0x33: {  	(v2sf) =	vpush v8, $0xD;
	_ =	sdelay $0x1  }
0x34: {  	(v2sf) =	vpush v8, $0xC;
	_ =	sdelay $0x1  }
0x35: {  	(v2sf) =	vpush v8, $0xE;
	_ =	sdelay $0x1  }
0x36: {  	(v2sf) =	vpush v8, $0xF;
	_ =	sdelay $0x1  }
0x37: {  	(v2sf) =	vpush v8, $0x9;
	_ =	sdelay $0x1  }
0x38: {  	(v2sf) =	vpush v8, $0x8;
	_ =	sdelay $0x1  }
0x39: {  	(v2sf) =	vpush v8, $0xA;
	_ =	sdelay $0x1  }
0x3a: {  	(v2sf) =	vpush v8, $0xB  }
0x3b: {  	s14 =	spop (v2sf)  }
0x3c: {  	(v2sf) =	vpush v8, $0x0;
	s15 =	smulhi.u32 $0x2E8BA2E9, s14;
	s14 =	sshra.s32 s14, $0x1F  }
0x3d: {  	s16 =	spop (v2sf);
	(v2sf) =	vpush v8, $0x1;
	s14 =	smul.u32 $0x2E8BA2E9, s14  }
0x3e: {  	s17 =	smulhi.u32 $0x2E8BA2E9, s16;
	s16 =	sshra.s32 s16, $0x1F;
	(v2sf) =	vpush v8, $0x2  }
0x3f: {  	s18 =	spop (v2sf);
	s16 =	smul.u32 $0x2E8BA2E9, s16;
	(v2sf) =	vpush v8, $0x3  }
0x40: {  	s19 =	smulhi.u32 $0x2E8BA2E9, s18;
	s18 =	sshra.s32 s18, $0x1F;
	(v2sf) =	vpush v8, $0x4  }
0x41: {  	s20 =	spop (v2sf);
	s18 =	smul.u32 $0x2E8BA2E9, s18;
	(v2sf) =	vpush v8, $0x5  }
0x42: {  	s21 =	smulhi.u32 $0x2E8BA2E9, s20;
	s7 =	sshra.s32 s20, $0x1F;
	(v2sf) =	vpush v8, $0x6  }
0x43: {  	s14 =	sadd.s32 s14, s15;
	s8 =	spop (v2sf);
	s20 =	smul.u32 $0x2E8BA2E9, s7;
	(v2sf) =	vpush v8, $0x7  }
0x44: {  	s23 =	sshrl.u32 s14, $0x1F;
	s22 =	smulhi.u32 $0x2E8BA2E9, s8;
	s15 =	sshra.s32 s8, $0x1F  }
0x45: {  	s17 =	sadd.s32 s16, s17;
	s9 =	spop (v2sf);
	s24 =	smul.u32 $0x2E8BA2E9, s15  }
0x46: {  	s28 =	sshrl.u32 s17, $0x1F;
	s12 =	smulhi.u32 $0x2E8BA2E9, s9;
	s16 =	sshra.s32 s9, $0x1F  }
0x47: {  	s15 =	sadd.s32 s18, s19;
	s1 =	spop (v2sf);
	s29 =	smul.u32 $0x2E8BA2E9, s16  }
0x48: {  	s17 =	sshra.s32 s17, $0x1;
	s2 =	smulhi.u32 $0x2E8BA2E9, s1;
	s18 =	sshra.s32 s1, $0x1F  }
0x49: {  	s25 =	sshrl.u32 s15, $0x1F;
	s6 =	spop (v2sf);
	s30 =	smul.u32 $0x2E8BA2E9, s18  }
0x4a: {  	s16 =	sadd.s32 s20, s21;
	s31 =	smulhi.u32 $0x2E8BA2E9, s6;
	s21 =	sshra.s32 s6, $0x1F  }
0x4b: {  	s26 =	sshrl.u32 s16, $0x1F;
	s1 =	smul.u32 $0x2E8BA2E9, s21;
	s7 =	spop (v2sf)  }
0x4c: {  	s0 =	smulhi.u32 $0x2E8BA2E9, s7;
	s8 =	sshra.s32 s7, $0x1F;
	s3 =	spop (v2sf)  }
0x4d: {  	s18 =	sadd.s32 s24, s22;
	s9 =	smul.u32 $0x2E8BA2E9, s8;
	s22 =	spop (v2sf)  }
0x4e: {  	s4 =	smulhi.u32 $0x2E8BA2E9, s3;
	s3 =	sshra.s32 s3, $0x1F;
	s5 =	spop (v2sf)  }
0x4f: {  	s24 =	sshrl.u32 s18, $0x1F;
	s3 =	smul.u32 $0x2E8BA2E9, s3;
	s7 =	spop (v2sf)  }
0x50: {  	v11 =	vmov s28;
	s21 =	sadd.s32 s29, s12;
	s8 =	smulhi.u32 $0x2E8BA2E9, s22;
	s12 =	spop (v2sf)  }
0x51: {  	v11 =	vsel vm0, s23, v11;
	s19 =	sshra.s32 s22, $0x1F;
	s22 =	sadd.s32 s30, s2;
	s30 =	spop (v2sf)  }
0x52: {  	v11 =	vsel vm1, s25, v11;
	s25 =	sshra.s32 s18, $0x1;
	s20 =	smul.u32 $0x2E8BA2E9, s19;
	s2 =	spop (v2sf)  }
0x53: {  	s19 =	sadd.s32 s1, s31;
	s29 =	smulhi.u32 $0x2E8BA2E9, s2;
	s31 =	sshra.s32 s2, $0x1F  }
0x54: {  	s6 =	sshrl.u32 s21, $0x1F;
	s0 =	sadd.s32 s9, s0;
	s9 =	smul.u32 $0x2E8BA2E9, s31  }
0x55: {  	s21 =	sshra.s32 s21, $0x1;
	s1 =	smulhi.u32 $0x2E8BA2E9, s5;
	s5 =	sshra.s32 s5, $0x1F  }
0x56: {  	s3 =	sadd.s32 s3, s4;
	s8 =	sadd.s32 s20, s8;
	s20 =	sadd.s32 s9, s29  }
0x57: {  	s4 =	smul.u32 $0x2E8BA2E9, s5;
	s5 =	sshrl.u32 s0, $0x1F;
	s29 =	sshra.s32 s20, $0x1F  }
0x58: {  	v12 =	vmov s5;
	s5 =	smulhi.u32 $0x2E8BA2E9, s12;
	s12 =	sshra.s32 s12, $0x1F;
	s9 =	sshra.s32 s0, $0x1;
	v55 =	vmov s29  }
0x59: {  	s1 =	sadd.s32 s4, s1;
	s4 =	smulhi.u32 $0x2E8BA2E9, s7;
	s0 =	sshra.s32 s0, $0x1F;
	v10 =	vsel vm3, s9, v55  }
0x5a: {  	s28 =	sshra.s32 s3, $0x1;
	s7 =	sshra.s32 s7, $0x1F;
	s12 =	smul.u32 $0x2E8BA2E9, s12;
	v10 =	vsel vm9, s0, v10  }
0x5b: {  	v56 =	vmov s17;
	s23 =	smulhi.u32 $0x2E8BA2E9, s30;
	s29 =	sshrl.u32 s3, $0x1F;
	s3 =	sshra.s32 s3, $0x1F;
	v10 =	vsel vm0, s28, v10  }
0x5c: {  	v11 =	vsel vm2, s26, v11;
	v12 =	vnsel vm3, $0x0, v12;
	s30 =	sshra.s32 s30, $0x1F;
	s26 =	sshra.s32 s8, $0x1;
	s7 =	smul.u32 $0x2E8BA2E9, s7;
	v10 =	vsel vm10, s3, v10  }
0x5d: {  	v13 =	vmov s6;
	s2 =	sshrl.u32 s19, $0x1F;
	s31 =	sshrl.u32 s22, $0x1F;
	v12 =	vsel vm0, s29, v12;
	s29 =	sshra.s32 s8, $0x1F;
	v10 =	vsel vm1, s26, v10  }
0x5e: {  	v14 =	vmov s21;
	v13 =	vsel vm0, s24, v13;
	s4 =	sadd.s32 s7, s4;
	s7 =	sshra.s32 s1, $0x1;
	s9 =	sshrl.u32 s8, $0x1F;
	v10 =	vsel vm11, s29, v10  }
0x5f: {  	v14 =	vsel vm0, s25, v14;
	v13 =	vsel vm1, s31, v13;
	s0 =	sshrl.u32 s1, $0x1F;
	s1 =	sshra.s32 s1, $0x1F;
	s28 =	smul.u32 $0x2E8BA2E9, s30;
	v10 =	vsel vm2, s7, v10  }
0x60: {  	s24 =	sshra.s32 s14, $0x1;
	s5 =	sadd.s32 s12, s5;
	v13 =	vsel vm2, s2, v13;
	s12 =	sshra.s32 s4, $0x1;
	v12 =	vsel vm1, s9, v12;
	v10 =	vsel vm12, s1, v10  }
0x61: {  	v11 =	vcombine.low v13, v11;
	v12 =	vsel vm2, s0, v12;
	s30 =	sshrl.u32 s4, $0x1F;
	s6 =	sadd.s32 s28, s23;
	s23 =	sshra.s32 s4, $0x1F;
	v10 =	vsel vm4, s12, v10  }
0x62: {  	v13 =	vsel vm0, s24, v56;
	s8 =	sshrl.u32 s5, $0x1F;
	v12 =	vsel vm4, s30, v12;
	s26 =	sshra.s32 s5, $0x1;
	s28 =	sshra.s32 s15, $0x1;
	v10 =	vsel vm13, s23, v10  }
0x63: {  	s30 =	sshra.s32 s5, $0x1F;
	v12 =	vsel vm5, s8, v12;
	s9 =	sshrl.u32 s6, $0x1F;
	s29 =	sshra.s32 s22, $0x1;
	v13 =	vsel vm1, s28, v13;
	v10 =	vsel vm5, s26, v10  }
0x64: {  	s31 =	sshra.s32 s16, $0x1;
	s3 =	sshra.s32 s19, $0x1;
	s4 =	sshra.s32 s6, $0x1;
	v12 =	vsel vm6, s9, v12;
	v14 =	vsel vm1, s29, v14;
	v10 =	vsel vm14, s30, v10  }
0x65: {  	s5 =	sshrl.u32 s20, $0x1F;
	s6 =	sshra.s32 s6, $0x1F;
	v13 =	vsel vm2, s31, v13;
	v14 =	vsel vm2, s3, v14;
	v10 =	vsel vm6, s4, v10  }
0x66: {  	s7 =	sshra.s32 s20, $0x1;
	v12 =	vsel vm7, s5, v12;
	v13 =	vcombine.low v14, v13;
	v10 =	vsel vm15, s6, v10  }
0x67: {  	v11 =	vperm.xlane v11, v2;
	v12 =	vperm.xlane v12, v3;
	v10 =	vsel vm7, s7, v10  }
0x68: {  	v13 =	vperm.xlane v13, v2;
	v10 =	vperm.xlane v10, v3;
	_ =	sdelay $0x1  }
0x69: {  	v11 =	vsel vm8, v12, v11;
	v10 =	vsel vm8, v10, v13  }
0x6a: {  	v10 =	vadd.s32 v11, v10  }
0x6b: {  	v10 =	vmul.u32 $0xB, v10  }
0x6c: {  	vm15 =	vmmov vm14;
	vm14 =	vmmov vm13;
	vm13 =	vmmov vm12  }
0x6d: {  	vm12 =	vmmov vm11;
	vm11 =	vmmov vm10;
	v8 =	vsub.s32 v8, v10  }
0x6e: {  	vm10 =	vmmov vm9;
	vm9 =	vlt.s32 v8, $0x0;
	v10 =	vadd.s32 $0xB, v8  }
0x6f: {  	v10 =	vsel vm9, v10, v8  }
0x70: {  	v57 =	vadd.s32 v4, v10  }
0x71: {  	v8 =	vadd.s32 s13, v6;
	_ =	sdelay $0x2  }
0x72: {  	s8 =	simm.s32 $0x16F80;
	[tilespmem:v9+s11+$0x0] =	vst.idx.msk $0xffff, v10  }
0x73: {  	[tilespmem:v57+s8+$0x0] =	vst.idx.add.s32.msk $0xffff, v5  }
0x74: {  	v9 =	vld.idx.msk [tilespmem:v8+s10+$0x0], $0xffff  }
0x75: {  	s9 =	simm.s32 $0x7A80  }
0x76: {  	v10 =	vld.idx.msk [tilespmem:v8+s9+$0x0], $0xffff;
	_ =	sdelay $0x2  }
0x77: {  	v9 =	vmul.u32 $0x7, v9;
	_ =	sdelay $0x1  }
0x78: {  	v9 =	vadd.s32 v10, v9  }
0x79: {  	(v2sf) =	vpush v9, $0xD;
	_ =	sdelay $0x1  }
0x7a: {  	(v2sf) =	vpush v9, $0xC;
	_ =	sdelay $0x1  }
0x7b: {  	(v2sf) =	vpush v9, $0xE;
	_ =	sdelay $0x1  }
0x7c: {  	(v2sf) =	vpush v9, $0xF;
	_ =	sdelay $0x1  }
0x7d: {  	(v2sf) =	vpush v9, $0x9;
	_ =	sdelay $0x1  }
0x7e: {  	(v2sf) =	vpush v9, $0x8;
	_ =	sdelay $0x1  }
0x7f: {  	(v2sf) =	vpush v9, $0xA;
	_ =	sdelay $0x1  }
0x80: {  	(v2sf) =	vpush v9, $0xB  }
0x81: {  	(v2sf) =	vpush v9, $0x0;
	s12 =	spop (v2sf)  }
0x82: {  	(v2sf) =	vpush v9, $0x1;
	s1 =	smulhi.u32 $0x2E8BA2E9, s12;
	s0 =	sshra.s32 s12, $0x1F  }
0x83: {  	s14 =	spop (v2sf);
	s0 =	smul.u32 $0x2E8BA2E9, s0  }
0x84: {  	(v2sf) =	vpush v9, $0x2;
	s3 =	smulhi.u32 $0x2E8BA2E9, s14;
	s2 =	sshra.s32 s14, $0x1F  }
0x85: {  	s15 =	spop (v2sf);
	s2 =	smul.u32 $0x2E8BA2E9, s2  }
0x86: {  	(v2sf) =	vpush v9, $0x3;
	s6 =	smulhi.u32 $0x2E8BA2E9, s15;
	s4 =	sshra.s32 s15, $0x1F  }
0x87: {  	s16 =	spop (v2sf);
	s4 =	smul.u32 $0x2E8BA2E9, s4  }
0x88: {  	(v2sf) =	vpush v9, $0x4;
	s9 =	smulhi.u32 $0x2E8BA2E9, s16;
	s5 =	sshra.s32 s16, $0x1F  }
0x89: {  	(v2sf) =	vpush v9, $0x5;
	s17 =	spop (v2sf);
	s5 =	smul.u32 $0x2E8BA2E9, s5  }
0x8a: {  	(v2sf) =	vpush v9, $0x6;
	s18 =	smulhi.u32 $0x2E8BA2E9, s17;
	s7 =	sshra.s32 s17, $0x1F  }
0x8b: {  	(v2sf) =	vpush v9, $0x7;
	s19 =	spop (v2sf);
	s7 =	smul.u32 $0x2E8BA2E9, s7  }
0x8c: {  	s20 =	smulhi.u32 $0x2E8BA2E9, s19;
	s8 =	sshra.s32 s19, $0x1F  }
0x8d: {  	s21 =	spop (v2sf);
	s8 =	smul.u32 $0x2E8BA2E9, s8  }
0x8e: {  	s15 =	sadd.s32 s0, s1;
	s25 =	smulhi.u32 $0x2E8BA2E9, s21;
	s12 =	sshra.s32 s21, $0x1F  }
0x8f: {  	s17 =	sadd.s32 s2, s3;
	s23 =	spop (v2sf);
	s12 =	smul.u32 $0x2E8BA2E9, s12  }
0x90: {  	s30 =	spop (v2sf);
	s29 =	smulhi.u32 $0x2E8BA2E9, s23;
	s14 =	sshra.s32 s23, $0x1F  }
0x91: {  	s3 =	sshrl.u32 s15, $0x1F;
	s31 =	spop (v2sf);
	s0 =	smul.u32 $0x2E8BA2E9, s14  }
0x92: {  	s1 =	smulhi.u32 $0x2E8BA2E9, s30;
	s16 =	sshra.s32 s30, $0x1F;
	s30 =	sshrl.u32 s17, $0x1F  }
0x93: {  	s14 =	sadd.s32 s5, s9;
	s22 =	spop (v2sf);
	s2 =	smul.u32 $0x2E8BA2E9, s16  }
0x94: {  	s16 =	sadd.s32 s4, s6;
	s4 =	smulhi.u32 $0x2E8BA2E9, s31;
	s21 =	sshra.s32 s31, $0x1F  }
0x95: {  	s9 =	sshrl.u32 s14, $0x1F;
	s24 =	spop (v2sf);
	s5 =	smul.u32 $0x2E8BA2E9, s21  }
0x96: {  	s31 =	sshrl.u32 s16, $0x1F;
	s21 =	sadd.s32 s7, s18;
	s6 =	smulhi.u32 $0x2E8BA2E9, s22  }
0x97: {  	s19 =	sshra.s32 s22, $0x1F;
	s22 =	sadd.s32 s8, s20;
	s26 =	spop (v2sf)  }
0x98: {  	s18 =	sadd.s32 s0, s29;
	s7 =	smul.u32 $0x2E8BA2E9, s19;
	s28 =	spop (v2sf)  }
0x99: {  	s8 =	smulhi.u32 $0x2E8BA2E9, s24;
	s24 =	sshra.s32 s24, $0x1F;
	s23 =	spop (v2sf)  }
0x9a: {  	s19 =	sadd.s32 s12, s25;
	s0 =	smul.u32 $0x2E8BA2E9, s24;
	s25 =	spop (v2sf)  }
0x9b: {  	s1 =	sadd.s32 s2, s1;
	s2 =	smulhi.u32 $0x2E8BA2E9, s25;
	s12 =	sshra.s32 s25, $0x1F  }
0x9c: {  	s24 =	sshrl.u32 s21, $0x1F;
	s4 =	sadd.s32 s5, s4;
	s5 =	smul.u32 $0x2E8BA2E9, s12  }
0x9d: {  	s29 =	smulhi.u32 $0x2E8BA2E9, s26;
	s20 =	sshra.s32 s26, $0x1F;
	s26 =	sshra.s32 s1, $0x1  }
0x9e: {  	v59 =	vmov s30;
	s6 =	sadd.s32 s7, s6;
	s12 =	smul.u32 $0x2E8BA2E9, s20;
	s20 =	sadd.s32 s5, s2  }
0x9f: {  	v11 =	vsel vm0, s3, v59;
	s30 =	sshrl.u32 s4, $0x1F;
	s3 =	smulhi.u32 $0x2E8BA2E9, s28;
	s5 =	sshra.s32 s20, $0x1F  }
0xa0: {  	s0 =	sadd.s32 s0, s8;
	s8 =	sshrl.u32 s18, $0x1F;
	s25 =	sshrl.u32 s22, $0x1F;
	v58 =	vmov s5  }
0xa1: {  	v61 =	vmov s25;
	s7 =	sadd.s32 s12, s29;
	s29 =	sshrl.u32 s1, $0x1F;
	s1 =	sshra.s32 s1, $0x1F;
	v10 =	vsel vm3, s26, v58  }
0xa2: {  	v11 =	vsel vm1, s31, v11;
	v13 =	vsel vm0, s24, v61;
	s2 =	sshrl.u32 s19, $0x1F;
	s26 =	sshra.s32 s28, $0x1F;
	s28 =	sshra.s32 s4, $0x1;
	v10 =	vsel vm10, s1, v10  }
0xa3: {  	s31 =	sshra.s32 s6, $0x1;
	v60 =	vmov s29;
	s29 =	sshrl.u32 s6, $0x1F;
	v13 =	vsel vm1, s2, v13;
	s4 =	sshra.s32 s4, $0x1F;
	v10 =	vsel vm0, s28, v10  }
0xa4: {  	s6 =	sshra.s32 s6, $0x1F;
	v12 =	vnsel vm3, $0x0, v60;
	s5 =	smulhi.u32 $0x2E8BA2E9, s23;
	v13 =	vsel vm2, s8, v13;
	s8 =	sshra.s32 s22, $0x1;
	v10 =	vsel vm11, s4, v10  }
0xa5: {  	v12 =	vsel vm0, s30, v12;
	s30 =	sshra.s32 s23, $0x1F;
	s23 =	sshrl.u32 s0, $0x1F;
	s12 =	smul.u32 $0x2E8BA2E9, s26;
	v10 =	vsel vm1, s31, v10  }
0xa6: {  	v11 =	vsel vm2, s9, v11;
	v12 =	vsel vm1, s29, v12;
	s25 =	smul.u32 $0x2E8BA2E9, s30;
	s29 =	sshra.s32 s0, $0x1;
	s0 =	sshra.s32 s0, $0x1F;
	v10 =	vsel vm12, s6, v10  }
0xa7: {  	vm9 =	vcmask $0x3734;
	v11 =	vcombine.low v13, v11;
	s28 =	sshrl.u32 s7, $0x1F;
	s26 =	sadd.s32 s12, s3;
	s12 =	sshra.s32 s15, $0x1;
	v10 =	vsel vm2, s29, v10  }
0xa8: {  	v63 =	vmov s8;
	v12 =	vsel vm2, s23, v12;
	s15 =	sshra.s32 s21, $0x1;
	s31 =	sadd.s32 s25, s5;
	s5 =	sshra.s32 s7, $0x1;
	v10 =	vsel vm13, s0, v10  }
0xa9: {  	s9 =	sshra.s32 s7, $0x1F;
	v12 =	vsel vm4, s28, v12;
	s30 =	sshrl.u32 s26, $0x1F;
	v14 =	vsel vm0, s15, v63;
	s6 =	sshra.s32 s17, $0x1;
	v10 =	vsel vm4, s5, v10  }
0xaa: {  	s22 =	sshra.s32 s19, $0x1;
	v12 =	vsel vm5, s30, v12;
	s17 =	sshra.s32 s26, $0x1;
	v62 =	vmov s6;
	v10 =	vsel vm14, s9, v10  }
0xab: {  	s21 =	sshra.s32 s16, $0x1;
	s23 =	sshra.s32 s26, $0x1F;
	s4 =	sshrl.u32 s31, $0x1F;
	v14 =	vsel vm1, s22, v14;
	v13 =	vsel vm0, s12, v62;
	v10 =	vsel vm5, s17, v10  }
0xac: {  	s24 =	sshra.s32 s14, $0x1;
	s25 =	sshra.s32 s18, $0x1;
	s26 =	sshra.s32 s31, $0x1;
	v12 =	vsel vm6, s4, v12;
	v13 =	vsel vm1, s21, v13;
	v10 =	vsel vm15, s23, v10  }
0xad: {  	s28 =	sshrl.u32 s20, $0x1F;
	v14 =	vsel vm2, s25, v14;
	s29 =	sshra.s32 s31, $0x1F;
	v13 =	vsel vm2, s24, v13;
	v10 =	vsel vm6, s26, v10  }
0xae: {  	s30 =	sshra.s32 s20, $0x1;
	v12 =	vsel vm7, s28, v12;
	v13 =	vcombine.low v14, v13;
	v10 =	vsel vm9, s29, v10  }
0xaf: {  	v11 =	vperm.xlane v11, v2;
	v12 =	vperm.xlane v12, v3;
	v10 =	vsel vm7, s30, v10  }
0xb0: {  	v13 =	vperm.xlane v13, v2;
	v10 =	vperm.xlane v10, v3;
	_ =	sdelay $0x1  }
0xb1: {  	v11 =	vsel vm8, v12, v11;
	v10 =	vsel vm8, v10, v13  }
0xb2: {  	v10 =	vadd.s32 v11, v10  }
0xb3: {  	v10 =	vmul.u32 $0xB, v10;
	_ =	sdelay $0x1  }
0xb4: {  	v9 =	vsub.s32 v9, v10  }
0xb5: {  	vm9 =	vlt.s32 v9, $0x0;
	v10 =	vadd.s32 $0xB, v9  }
0xb6: {  	v9 =	vsel vm9, v10, v9  }
0xb7: {  	p0 =	sne.s32 s13, $0x3D3;
	v10 =	vadd.s32 v7, v9  }
.Ltmp0:
0xb8: {  	_ = 	snop;
	(pc) =	sbr.rel @p0 .LBB2_2-.Ltmp0, $4  }
0xb9: {  	_ = 	snop  }
0xba: {  	vm9 =	vmmov vm10  }
0xbb: {  	s31 =	simm.s32 $0x16F80;
	vm10 =	vmmov vm11;
	vm11 =	vmmov vm12;
	vm12 =	vmmov vm13;
	[tilespmem:v8+s11+$0x0] =	vst.idx.msk $0xffff, v9  }
0xbc: {  	s13 =	sadd.s32 $0x1, s13;
	s2 =	simm.s32 $0xF500;
	s3 =	simm.s32 $0x16F80;
	vm13 =	vmmov vm14;
	vm14 =	vmmov vm15;
	vm15 =	vcmask $0x3734;
	[tilespmem:v10+s31+$0x0] =	vst.idx.add.s32.msk $0xffff, v5  }
0xbd: {  	s0 =	simm.s32 $0x0;
	s1 =	rddreg [dreg:$0x7]  }
0xbe: {  	[hbm4b:s1+s0] =	stream.linear.scatter [tilespmem:s2], [sflag:$0x1], $0x7A80, $0x38;
	[tilespmem:$0x170E0] =	vst v63  }
0xbf: {  	s2 =	simm.s32 $0x1  }
0xc0: {  	_ =	swait.ge [sflag:s2], $0x7A80  }
0xc1: {  	[sflag:s2] =	ssyncset.done $0x0  }
0xc2: {  	s29 =	rddreg [dreg:$0x8];
	[sflag:s2] =	ssyncadd.s32 $0xFFFF8580  }
0xc3: {  	[hbm4b:s29+s0] =	stream.linear.scatter [tilespmem:s3], [sflag:$0x1], $0x160, $0x38;
	[tilespmem:$0x170E0] =	vst v63  }
0xc4: {  	_ =	swait.ge [sflag:s2], $0x160  }
0xc5: {  	s30 =	rddreg [dreg:$0xa]  }
0xc6: {  	s31 =	rddreg [dreg:$0x9];
	s1 =	sadd.s32 $0x1, s30  }
0xc7: {  	p0 =	sne.s32 s1, s31  }
.Ltmp1:
0xc8: {  	_ = 	snop;
	(pc) =	sbr.rel @p0 .LBB2_1-.Ltmp1, $3  }
0xc9: {  	_ =	sdelay $0x1  }
0xca: {  	[sflag:s2] =	ssyncset.done $0x0  }
0xcb: {  	s3 =	simm.s32 $0x7A80;
	[sflag:s2] =	ssyncadd.s32 $0xFFFFFEA0  }
0xcc: {  	_ =	sfence.sel $0x180000  }
0xcd: {  	[bflag:$0x0] =	sbarrier.arrive $0xFFFF  }
0xce: {  	_ =	strace $0x90000047  }
0xcf: {  	s0 =	stileid.u32;
	[bflag:$0x2] =	sbarrier.arrive $0xFFFF  }
0xd0: {  	p0 =	sne.s32 s0, $0x0;
	s0 =	rddreg [dreg:$0x4]  }
0xd1: {  	s0 =	sadd.s32 @!p0 $0x100000, s0  }
0xd2: {  	[sflag:s0] =	ssyncadd.tile.s32 @!p0 $0x1;
	_ =	shalt  }
.Lfunc_end2:
_tile_overlayer_lowered:
.L_overlay_start_2:
0xd3: {  	(tag) =	ssettag $0x2  }
0xd4: {  	s0 =	rddreg [dreg:$0x0];
	s2 =	stileid.u32  }
0xd5: {  	s1 =	rddreg [dreg:$0x1];
	p0 =	sne.s32 s2, $0x0  }
0xd6: {  	s3 =	rddreg [dreg:$0x2];
	[bflag:$0x3] =	sbarrier.arrive $0xFFFF;
	s2 =	simm.s32 @!p0 $0x1C01  }
0xd7: {  	[timem:s3], [sflag:s2] =	dma.local @!p0 [hbm:s0], s1  }
0xd8: {  	s0 =	simm.s32 @!p0 $0x1  }
0xd9: {  	_ =	swait.ge @!p0 [sflag:s0], s1  }
0xda: {  	s1 =	ssub.s32 @!p0 $0x0, s1;
	[sflag:s0] =	ssyncset.done @!p0 $0x0  }
0xdb: {  	[sflag:s0] =	ssyncadd.s32 @!p0 s1  }
0xdc: {  	[bflag:$0x3] =	sbarrier.arrive $0xFFFF  }
0xdd: {  	_ =	shalt  }

</sc_bundles>
